<compile_context>
chip_gen: v7x
topology: tpu7x:2x2x1
jax: 0.10.2.dev20260603
libtpu: 0.0.44.dev20260713+nightly
codegen_flags: <defaults>
</compile_context>

<pallas_src>
import functools

import jax
import jax.numpy as jnp
from jax import lax
from jax.experimental import pallas as pl
from jax.experimental.pallas import tpu as pltpu
from jax.experimental.pallas import tpu_sc as plsc

B = 16384
F = 26
V = 1000000
D = 16
H1 = 400
H2 = 400

NSLICE = 4
BS = B // NSLICE
NS_ROWS = BS * F
NC = 2
NSUB = 16
NW = NC * NSUB
N_PER_W = NS_ROWS // NW
CHUNK = 1664
N_CHUNKS = N_PER_W // CHUNK


def _sc_gather_body(idx_hbm, emb_hbm, lin_hbm, emb_out, lin_out,
                    idx_v, emb_v, lin_v, sem_e, sem_l):
    wid = lax.axis_index("s") * NC + lax.axis_index("c")
    base = wid * N_PER_W
    for c in range(N_CHUNKS):
        off = base + c * CHUNK
        pltpu.sync_copy(idx_hbm.at[pl.ds(off, CHUNK)], idx_v)
        cp_e = pltpu.async_copy(emb_hbm.at[idx_v], emb_v, sem_e)
        cp_l = pltpu.async_copy(lin_hbm.at[idx_v], lin_v, sem_l)
        cp_e.wait()
        cp_l.wait()
        pltpu.sync_copy(emb_v, emb_out.at[pl.ds(off, CHUNK)])
        pltpu.sync_copy(lin_v, lin_out.at[pl.ds(off, CHUNK)])


@functools.partial(jax.jit, donate_argnums=())
def _sc_gather(idx_flat, emb_table, lin_flat):
    mesh = plsc.VectorSubcoreMesh(core_axis_name="c", subcore_axis_name="s")
    return pl.kernel(
        _sc_gather_body,
        out_type=[
            jax.ShapeDtypeStruct((NS_ROWS, D), jnp.float32),
            jax.ShapeDtypeStruct((NS_ROWS,), jnp.float32),
        ],
        name="deepfm_sc_gather",
        mesh=mesh,
        compiler_params=pltpu.CompilerParams(use_tc_tiling_on_sc=False),
        scratch_types=[
            pltpu.VMEM((CHUNK,), jnp.int32),
            pltpu.VMEM((CHUNK, D), jnp.float32),
            pltpu.VMEM((CHUNK,), jnp.float32),
            pltpu.SemaphoreType.DMA,
            pltpu.SemaphoreType.DMA,
        ],
    )(idx_flat, emb_table, lin_flat)


BLK = 1024


def _tc_body(emb_ref, lin_ref, w1_ref, b1_ref, w2_ref, b2_ref, w3_ref,
             b3_ref, s_ref, out_ref):
    emb = emb_ref[...]
    s = s_ref[...]
    sum_emb = jnp.dot(emb, s, preferred_element_type=jnp.float32)
    sum_sq = jnp.dot(emb * emb, s, preferred_element_type=jnp.float32)
    fm = 0.5 * jnp.sum(sum_emb * sum_emb - sum_sq, axis=-1, keepdims=True)
    first = jnp.sum(lin_ref[...], axis=-1, keepdims=True)
    h = jnp.dot(emb, w1_ref[...], preferred_element_type=jnp.float32)
    h = jnp.maximum(h + b1_ref[...], 0.0)
    h = jnp.dot(h, w2_ref[...], preferred_element_type=jnp.float32)
    h = jnp.maximum(h + b2_ref[...], 0.0)
    dnn = jnp.sum(h * w3_ref[...], axis=-1, keepdims=True) + b3_ref[...]
    out_ref[...] = jax.nn.sigmoid(first + fm + dnn)


def _tc_head(emb_flat, lin_vals, W1, b1, W2, b2, W3, b3, s_mat):
    grid = (BS // BLK,)
    return pl.pallas_call(
        _tc_body,
        grid=grid,
        in_specs=[
            pl.BlockSpec((BLK, F * D), lambda i: (i, 0)),
            pl.BlockSpec((BLK, F), lambda i: (i, 0)),
            pl.BlockSpec((F * D, H1), lambda i: (0, 0)),
            pl.BlockSpec((1, H1), lambda i: (0, 0)),
            pl.BlockSpec((H1, H2), lambda i: (0, 0)),
            pl.BlockSpec((1, H2), lambda i: (0, 0)),
            pl.BlockSpec((1, H2), lambda i: (0, 0)),
            pl.BlockSpec((1, 1), lambda i: (0, 0)),
            pl.BlockSpec((F * D, D), lambda i: (0, 0)),
        ],
        out_specs=pl.BlockSpec((BLK, 1), lambda i: (i, 0)),
        out_shape=jax.ShapeDtypeStruct((BS, 1), jnp.float32),
    )(emb_flat, lin_vals, W1, b1, W2, b2, W3, b3, s_mat)


def kernel(indices, emb_table, lin_table, W1, b1, W2, b2, W3, b3):
    idx_flat = indices.reshape(-1).astype(jnp.int32)
    lin_flat = lin_table.reshape(-1)
    emb_r8 = lax.optimization_barrier(emb_table.reshape(V // 8, D * 8))
    emb_lin = emb_r8.reshape(V, D)
    s_mat = jnp.tile(jnp.eye(D, dtype=jnp.float32), (F, 1))
    b1r = b1.reshape(1, H1)
    b2r = b2.reshape(1, H2)
    w3r = W3.reshape(1, H2)
    b3r = b3.reshape(1, 1)
    outs = []
    for s in range(NSLICE):
        idx_s = lax.dynamic_slice(idx_flat, (s * NS_ROWS,), (NS_ROWS,))
        emb_rows, lin_rows = _sc_gather(idx_s, emb_lin, lin_flat)
        emb_flat = emb_rows.reshape(BS, F * D)
        lin_vals = lin_rows.reshape(BS, F)
        outs.append(_tc_head(emb_flat, lin_vals, W1, b1r, W2, b2r, w3r, b3r,
                             s_mat))
    return jnp.concatenate(outs, axis=0)

# --- scband reference (transcript-rebuilt; emitter-appended) ---
"""Pipeline reference for scband-deep-fm-90520730730496 (READ-ONLY COPY).

The authoritative reference and input builder live on the scoring server;
editing this copy changes nothing except your own understanding.
"""

import jax, jax.numpy as jnp
import numpy as np

B = 16384
F = 26
V = 1000000
D = 16
H1 = 400
H2 = 400

def setup_inputs(seed: int = 0) -> dict:
    key = jax.random.key(seed)
    ks = jax.random.split(key, 9)
    indices = jax.random.randint(ks[0], (B, F), 0, V, dtype=jnp.int64 if jax.config.jax_enable_x64 else jnp.int32)
    emb_table = jax.random.normal(ks[1], (V, D), dtype=jnp.float32) * 0.01
    lin_table = jax.random.normal(ks[2], (V, 1), dtype=jnp.float32) * 0.01
    W1 = jax.random.normal(ks[3], (F * D, H1), dtype=jnp.float32) * (1.0 / np.sqrt(F * D))
    b1 = jnp.zeros((H1,), dtype=jnp.float32)
    W2 = jax.random.normal(ks[4], (H1, H2), dtype=jnp.float32) * (1.0 / np.sqrt(H1))
    b2 = jnp.zeros((H2,), dtype=jnp.float32)
    W3 = jax.random.normal(ks[5], (H2, 1), dtype=jnp.float32) * (1.0 / np.sqrt(H2))
    b3 = jnp.zeros((1,), dtype=jnp.float32)
    return {"indices": indices, "emb_table": emb_table, "lin_table": lin_table,
            "W1": W1, "b1": b1, "W2": W2, "b2": b2, "W3": W3, "b3": b3}

def reference(indices, emb_table, lin_table, W1, b1, W2, b2, W3, b3):
    # Embedding lookup (SparseCore gather): [B, F, D]
    emb = jnp.take(emb_table, indices, axis=0)
    # First-order linear term: [B, 1]
    first_order = jnp.sum(jnp.take(lin_table, indices, axis=0), axis=1)
    # FM second-order interaction: 0.5 * (square_of_sum - sum_of_square)
    sum_emb = jnp.sum(emb, axis=1)            # [B, D]
    sum_sq = jnp.sum(emb * emb, axis=1)       # [B, D]
    fm = 0.5 * jnp.sum(sum_emb * sum_emb - sum_sq, axis=-1, keepdims=True)  # [B, 1]
    # Deep component (MLP over flattened embeddings)
    h = emb.reshape(B, F * D)
    h = jax.nn.relu(h @ W1 + b1)
    h = jax.nn.relu(h @ W2 + b2)
    dnn = h @ W3 + b3                          # [B, 1]
    return jax.nn.sigmoid(first_order + fm + dnn)

if __name__ == "__main__":
    import jax
    _d = setup_inputs()
    print(jax.jit(kernel)(*tuple(_d.values())))

</pallas_src>

<mosaic_0001>
#map = affine_map<(d0, d1) -> (0)>
#map1 = affine_map<(d0, d1) -> (0, 0)>
module attributes {stable_mosaic.version = 14 : i64} {
  func.func @deepfm_sc_gather(%arg0: i32, %arg1: i32, %arg2: memref<106496xi32, #tpu.memory_space<hbm>>, %arg3: memref<1000000x16xf32, #tpu.memory_space<hbm>>, %arg4: memref<1000000xf32, #tpu.memory_space<hbm>>, %arg5: memref<106496x16xf32, #tpu.memory_space<hbm>>, %arg6: memref<106496xf32, #tpu.memory_space<hbm>>, %arg7: memref<1664xi32, #tpu.memory_space<vmem>>, %arg8: memref<1664x16xf32, #tpu.memory_space<vmem>>, %arg9: memref<1664xf32, #tpu.memory_space<vmem>>, %arg10: memref<!tpu.dma_semaphore, #tpu.memory_space<semaphore_mem>>, %arg11: memref<!tpu.dma_semaphore, #tpu.memory_space<semaphore_mem>>) attributes {dimension_semantics = [#tpu.dimension_semantics<core_parallel>, #tpu.dimension_semantics<subcore_parallel>], iteration_bounds = array<i64: 2, 16>, scalar_prefetch = 0 : i64, scratch_operands = 5 : i64, tpu.core_type = #tpu.core_type<sc_vector_subcore>, window_params = [{transform_indices = #map}, {transform_indices = #map1}, {transform_indices = #map}, {transform_indices = #map1}, {transform_indices = #map}]} {
    %mul3A = arith.constant 2 : i32
    %mul3A_0 = arith.muli %arg1, %mul3A : i32
    %add3A = arith.addi %mul3A_0, %arg0 : i32
    %mul3A_1 = arith.constant 3328 : i32
    %mul3A_2 = arith.muli %add3A, %mul3A_1 : i32
    %add3A_3 = arith.constant 0 : i32
    %add3A_4 = arith.addi %mul3A_2, %add3A_3 : i32
    "tpu.region"() ({
      %run_scoped3A = tpu.sem_alloc : memref<!tpu.dma_semaphore, #tpu.memory_space<semaphore_mem>>
      %dma_start3A_25 = tpu.memref_slice %arg2[%add3A_4] : memref<106496xi32, #tpu.memory_space<hbm>> -> memref<1664xi32, #tpu.memory_space<hbm>>
      %dma_start3A_26 = tpu.memref_slice %arg2[%add3A_4] : memref<106496xi32, #tpu.memory_space<hbm>> -> memref<1664xi32, #tpu.memory_space<hbm>>
      tpu.enqueue_dma source(%dma_start3A_26 : memref<1664xi32, #tpu.memory_space<hbm>>) target(%arg7 : memref<1664xi32, #tpu.memory_space<vmem>>) target_semaphore(%run_scoped3A : memref<!tpu.dma_semaphore, #tpu.memory_space<semaphore_mem>>)
      %dma_wait3A_27 = tpu.memref_slice %arg2[%add3A_4] : memref<106496xi32, #tpu.memory_space<hbm>> -> memref<1664xi32, #tpu.memory_space<hbm>>
      %dma_wait3A_28 = tpu.memref_slice %arg2[%add3A_4] : memref<106496xi32, #tpu.memory_space<hbm>> -> memref<1664xi32, #tpu.memory_space<hbm>>
      tpu.wait_dma2 semaphore(%run_scoped3A : memref<!tpu.dma_semaphore, #tpu.memory_space<semaphore_mem>>) src(%dma_wait3A_28 : memref<1664xi32, #tpu.memory_space<hbm>>) dst(%arg7 : memref<1664xi32, #tpu.memory_space<vmem>>)
      tpu.yield
    }) : () -> ()
    %dma_start3A = arith.constant 0 : i32
    %dma_start3A_5 = arith.constant 0 : i32
    %dma_start3A_6 = tpu.memref_slice %arg3[%dma_start3A, %dma_start3A_5] : memref<1000000x16xf32, #tpu.memory_space<hbm>> -> memref<1000000x16xf32, #tpu.memory_space<hbm>>
    tpu.enqueue_indirect_dma source(%dma_start3A_6 : memref<1000000x16xf32, #tpu.memory_space<hbm>>) target(%arg8 : memref<1664x16xf32, #tpu.memory_space<vmem>>) offsets(%arg7 : memref<1664xi32, #tpu.memory_space<vmem>>) semaphore(%arg10 : memref<!tpu.dma_semaphore, #tpu.memory_space<semaphore_mem>>)
    %dma_start3A_7 = arith.constant 0 : i32
    %dma_start3A_8 = tpu.memref_slice %arg4[%dma_start3A_7] : memref<1000000xf32, #tpu.memory_space<hbm>> -> memref<1000000xf32, #tpu.memory_space<hbm>>
    tpu.enqueue_indirect_dma source(%dma_start3A_8 : memref<1000000xf32, #tpu.memory_space<hbm>>) target(%arg9 : memref<1664xf32, #tpu.memory_space<vmem>>) offsets(%arg7 : memref<1664xi32, #tpu.memory_space<vmem>>) semaphore(%arg11 : memref<!tpu.dma_semaphore, #tpu.memory_space<semaphore_mem>>)
    %dma_wait3A = arith.constant 0 : i32
    %dma_wait3A_9 = arith.constant 0 : i32
    %dma_wait3A_10 = tpu.memref_slice %arg3[%dma_wait3A, %dma_wait3A_9] : memref<1000000x16xf32, #tpu.memory_space<hbm>> -> memref<1000000x16xf32, #tpu.memory_space<hbm>>
    tpu.wait_indirect_dma semaphore(%arg10 : memref<!tpu.dma_semaphore, #tpu.memory_space<semaphore_mem>>) src(%dma_wait3A_10 : memref<1000000x16xf32, #tpu.memory_space<hbm>>) dst(%arg8 : memref<1664x16xf32, #tpu.memory_space<vmem>>)
    %dma_wait3A_11 = arith.constant 0 : i32
    %dma_wait3A_12 = tpu.memref_slice %arg4[%dma_wait3A_11] : memref<1000000xf32, #tpu.memory_space<hbm>> -> memref<1000000xf32, #tpu.memory_space<hbm>>
    tpu.wait_indirect_dma semaphore(%arg11 : memref<!tpu.dma_semaphore, #tpu.memory_space<semaphore_mem>>) src(%dma_wait3A_12 : memref<1000000xf32, #tpu.memory_space<hbm>>) dst(%arg9 : memref<1664xf32, #tpu.memory_space<vmem>>)
    "tpu.region"() ({
      %run_scoped3A = tpu.sem_alloc : memref<!tpu.dma_semaphore, #tpu.memory_space<semaphore_mem>>
      %dma_start3A_25 = arith.constant 0 : i32
      %dma_start3A_26 = tpu.memref_slice %arg5[%add3A_4, %dma_start3A_25] : memref<106496x16xf32, #tpu.memory_space<hbm>> -> memref<1664x16xf32, #tpu.memory_space<hbm>>
      %dma_start3A_27 = arith.constant 0 : i32
      %dma_start3A_28 = tpu.memref_slice %arg5[%add3A_4, %dma_start3A_27] : memref<106496x16xf32, #tpu.memory_space<hbm>> -> memref<1664x16xf32, #tpu.memory_space<hbm>>
      tpu.enqueue_dma source(%arg8 : memref<1664x16xf32, #tpu.memory_space<vmem>>) target(%dma_start3A_28 : memref<1664x16xf32, #tpu.memory_space<hbm>>) target_semaphore(%run_scoped3A : memref<!tpu.dma_semaphore, #tpu.memory_space<semaphore_mem>>)
      %dma_wait3A_29 = arith.constant 0 : i32
      %dma_wait3A_30 = tpu.memref_slice %arg5[%add3A_4, %dma_wait3A_29] : memref<106496x16xf32, #tpu.memory_space<hbm>> -> memref<1664x16xf32, #tpu.memory_space<hbm>>
      %dma_wait3A_31 = arith.constant 0 : i32
      %dma_wait3A_32 = tpu.memref_slice %arg5[%add3A_4, %dma_wait3A_31] : memref<106496x16xf32, #tpu.memory_space<hbm>> -> memref<1664x16xf32, #tpu.memory_space<hbm>>
      tpu.wait_dma2 semaphore(%run_scoped3A : memref<!tpu.dma_semaphore, #tpu.memory_space<semaphore_mem>>) src(%arg8 : memref<1664x16xf32, #tpu.memory_space<vmem>>) dst(%dma_wait3A_32 : memref<1664x16xf32, #tpu.memory_space<hbm>>)
      tpu.yield
    }) : () -> ()
    "tpu.region"() ({
      %run_scoped3A = tpu.sem_alloc : memref<!tpu.dma_semaphore, #tpu.memory_space<semaphore_mem>>
      %dma_start3A_25 = tpu.memref_slice %arg6[%add3A_4] : memref<106496xf32, #tpu.memory_space<hbm>> -> memref<1664xf32, #tpu.memory_space<hbm>>
      %dma_start3A_26 = tpu.memref_slice %arg6[%add3A_4] : memref<106496xf32, #tpu.memory_space<hbm>> -> memref<1664xf32, #tpu.memory_space<hbm>>
      tpu.enqueue_dma source(%arg9 : memref<1664xf32, #tpu.memory_space<vmem>>) target(%dma_start3A_26 : memref<1664xf32, #tpu.memory_space<hbm>>) target_semaphore(%run_scoped3A : memref<!tpu.dma_semaphore, #tpu.memory_space<semaphore_mem>>)
      %dma_wait3A_27 = tpu.memref_slice %arg6[%add3A_4] : memref<106496xf32, #tpu.memory_space<hbm>> -> memref<1664xf32, #tpu.memory_space<hbm>>
      %dma_wait3A_28 = tpu.memref_slice %arg6[%add3A_4] : memref<106496xf32, #tpu.memory_space<hbm>> -> memref<1664xf32, #tpu.memory_space<hbm>>
      tpu.wait_dma2 semaphore(%run_scoped3A : memref<!tpu.dma_semaphore, #tpu.memory_space<semaphore_mem>>) src(%arg9 : memref<1664xf32, #tpu.memory_space<vmem>>) dst(%dma_wait3A_28 : memref<1664xf32, #tpu.memory_space<hbm>>)
      tpu.yield
    }) : () -> ()
    %add3A_13 = arith.constant 1664 : i32
    %add3A_14 = arith.addi %mul3A_2, %add3A_13 : i32
    "tpu.region"() ({
      %run_scoped3A = tpu.sem_alloc : memref<!tpu.dma_semaphore, #tpu.memory_space<semaphore_mem>>
      %dma_start3A_25 = tpu.memref_slice %arg2[%add3A_14] : memref<106496xi32, #tpu.memory_space<hbm>> -> memref<1664xi32, #tpu.memory_space<hbm>>
      %dma_start3A_26 = tpu.memref_slice %arg2[%add3A_14] : memref<106496xi32, #tpu.memory_space<hbm>> -> memref<1664xi32, #tpu.memory_space<hbm>>
      tpu.enqueue_dma source(%dma_start3A_26 : memref<1664xi32, #tpu.memory_space<hbm>>) target(%arg7 : memref<1664xi32, #tpu.memory_space<vmem>>) target_semaphore(%run_scoped3A : memref<!tpu.dma_semaphore, #tpu.memory_space<semaphore_mem>>)
      %dma_wait3A_27 = tpu.memref_slice %arg2[%add3A_14] : memref<106496xi32, #tpu.memory_space<hbm>> -> memref<1664xi32, #tpu.memory_space<hbm>>
      %dma_wait3A_28 = tpu.memref_slice %arg2[%add3A_14] : memref<106496xi32, #tpu.memory_space<hbm>> -> memref<1664xi32, #tpu.memory_space<hbm>>
      tpu.wait_dma2 semaphore(%run_scoped3A : memref<!tpu.dma_semaphore, #tpu.memory_space<semaphore_mem>>) src(%dma_wait3A_28 : memref<1664xi32, #tpu.memory_space<hbm>>) dst(%arg7 : memref<1664xi32, #tpu.memory_space<vmem>>)
      tpu.yield
    }) : () -> ()
    %dma_start3A_15 = arith.constant 0 : i32
    %dma_start3A_16 = arith.constant 0 : i32
    %dma_start3A_17 = tpu.memref_slice %arg3[%dma_start3A_15, %dma_start3A_16] : memref<1000000x16xf32, #tpu.memory_space<hbm>> -> memref<1000000x16xf32, #tpu.memory_space<hbm>>
    tpu.enqueue_indirect_dma source(%dma_start3A_17 : memref<1000000x16xf32, #tpu.memory_space<hbm>>) target(%arg8 : memref<1664x16xf32, #tpu.memory_space<vmem>>) offsets(%arg7 : memref<1664xi32, #tpu.memory_space<vmem>>) semaphore(%arg10 : memref<!tpu.dma_semaphore, #tpu.memory_space<semaphore_mem>>)
    %dma_start3A_18 = arith.constant 0 : i32
    %dma_start3A_19 = tpu.memref_slice %arg4[%dma_start3A_18] : memref<1000000xf32, #tpu.memory_space<hbm>> -> memref<1000000xf32, #tpu.memory_space<hbm>>
    tpu.enqueue_indirect_dma source(%dma_start3A_19 : memref<1000000xf32, #tpu.memory_space<hbm>>) target(%arg9 : memref<1664xf32, #tpu.memory_space<vmem>>) offsets(%arg7 : memref<1664xi32, #tpu.memory_space<vmem>>) semaphore(%arg11 : memref<!tpu.dma_semaphore, #tpu.memory_space<semaphore_mem>>)
    %dma_wait3A_20 = arith.constant 0 : i32
    %dma_wait3A_21 = arith.constant 0 : i32
    %dma_wait3A_22 = tpu.memref_slice %arg3[%dma_wait3A_20, %dma_wait3A_21] : memref<1000000x16xf32, #tpu.memory_space<hbm>> -> memref<1000000x16xf32, #tpu.memory_space<hbm>>
    tpu.wait_indirect_dma semaphore(%arg10 : memref<!tpu.dma_semaphore, #tpu.memory_space<semaphore_mem>>) src(%dma_wait3A_22 : memref<1000000x16xf32, #tpu.memory_space<hbm>>) dst(%arg8 : memref<1664x16xf32, #tpu.memory_space<vmem>>)
    %dma_wait3A_23 = arith.constant 0 : i32
    %dma_wait3A_24 = tpu.memref_slice %arg4[%dma_wait3A_23] : memref<1000000xf32, #tpu.memory_space<hbm>> -> memref<1000000xf32, #tpu.memory_space<hbm>>
    tpu.wait_indirect_dma semaphore(%arg11 : memref<!tpu.dma_semaphore, #tpu.memory_space<semaphore_mem>>) src(%dma_wait3A_24 : memref<1000000xf32, #tpu.memory_space<hbm>>) dst(%arg9 : memref<1664xf32, #tpu.memory_space<vmem>>)
    "tpu.region"() ({
      %run_scoped3A = tpu.sem_alloc : memref<!tpu.dma_semaphore, #tpu.memory_space<semaphore_mem>>
      %dma_start3A_25 = arith.constant 0 : i32
      %dma_start3A_26 = tpu.memref_slice %arg5[%add3A_14, %dma_start3A_25] : memref<106496x16xf32, #tpu.memory_space<hbm>> -> memref<1664x16xf32, #tpu.memory_space<hbm>>
      %dma_start3A_27 = arith.constant 0 : i32
      %dma_start3A_28 = tpu.memref_slice %arg5[%add3A_14, %dma_start3A_27] : memref<106496x16xf32, #tpu.memory_space<hbm>> -> memref<1664x16xf32, #tpu.memory_space<hbm>>
      tpu.enqueue_dma source(%arg8 : memref<1664x16xf32, #tpu.memory_space<vmem>>) target(%dma_start3A_28 : memref<1664x16xf32, #tpu.memory_space<hbm>>) target_semaphore(%run_scoped3A : memref<!tpu.dma_semaphore, #tpu.memory_space<semaphore_mem>>)
      %dma_wait3A_29 = arith.constant 0 : i32
      %dma_wait3A_30 = tpu.memref_slice %arg5[%add3A_14, %dma_wait3A_29] : memref<106496x16xf32, #tpu.memory_space<hbm>> -> memref<1664x16xf32, #tpu.memory_space<hbm>>
      %dma_wait3A_31 = arith.constant 0 : i32
      %dma_wait3A_32 = tpu.memref_slice %arg5[%add3A_14, %dma_wait3A_31] : memref<106496x16xf32, #tpu.memory_space<hbm>> -> memref<1664x16xf32, #tpu.memory_space<hbm>>
      tpu.wait_dma2 semaphore(%run_scoped3A : memref<!tpu.dma_semaphore, #tpu.memory_space<semaphore_mem>>) src(%arg8 : memref<1664x16xf32, #tpu.memory_space<vmem>>) dst(%dma_wait3A_32 : memref<1664x16xf32, #tpu.memory_space<hbm>>)
      tpu.yield
    }) : () -> ()
    "tpu.region"() ({
      %run_scoped3A = tpu.sem_alloc : memref<!tpu.dma_semaphore, #tpu.memory_space<semaphore_mem>>
      %dma_start3A_25 = tpu.memref_slice %arg6[%add3A_14] : memref<106496xf32, #tpu.memory_space<hbm>> -> memref<1664xf32, #tpu.memory_space<hbm>>
      %dma_start3A_26 = tpu.memref_slice %arg6[%add3A_14] : memref<106496xf32, #tpu.memory_space<hbm>> -> memref<1664xf32, #tpu.memory_space<hbm>>
      tpu.enqueue_dma source(%arg9 : memref<1664xf32, #tpu.memory_space<vmem>>) target(%dma_start3A_26 : memref<1664xf32, #tpu.memory_space<hbm>>) target_semaphore(%run_scoped3A : memref<!tpu.dma_semaphore, #tpu.memory_space<semaphore_mem>>)
      %dma_wait3A_27 = tpu.memref_slice %arg6[%add3A_14] : memref<106496xf32, #tpu.memory_space<hbm>> -> memref<1664xf32, #tpu.memory_space<hbm>>
      %dma_wait3A_28 = tpu.memref_slice %arg6[%add3A_14] : memref<106496xf32, #tpu.memory_space<hbm>> -> memref<1664xf32, #tpu.memory_space<hbm>>
      tpu.wait_dma2 semaphore(%run_scoped3A : memref<!tpu.dma_semaphore, #tpu.memory_space<semaphore_mem>>) src(%arg9 : memref<1664xf32, #tpu.memory_space<vmem>>) dst(%dma_wait3A_28 : memref<1664xf32, #tpu.memory_space<hbm>>)
      tpu.yield
    }) : () -> ()
    return
  }
}

</mosaic_0001>

<sc_bundles>
// kernel: deepfm_sc_gather.3.cloned.1.call-start
scs
__scs_entry_jumppad:
0x0: {  	(pc) =	sbr.rel $0x88, $3  }
0x1: {  	(tag) =	ssettag $0x0;
	lr =	simm.s32 $0x1  }
0x2: {  	[smem:$0x3F9E] =	sst lr;
	_ =	strace $0xD0000000  }
0x3: {  	_ = 	snop  }
0x4: {  	_ = 	snop  }
0x5: {  	_ = 	snop  }
0x6: {  	_ = 	snop  }
0x7: {  	_ = 	snop  }
__scs_overlays_trampoline_lowered:
0x8: {  	[smem:$0x3FAD] =	sst s0  }
0x9: {  	[smem:$0x3FAE] =	sst s1  }
0xa: {  	[smem:$0x3FAF] =	sst s2  }
0xb: {  	[smem:$0x3FB0] =	sst s3  }
0xc: {  	[smem:$0x3FB1] =	sst s4  }
0xd: {  	[smem:$0x3FB2] =	sst s5  }
0xe: {  	[smem:$0x3FB3] =	sst s6  }
0xf: {  	[smem:$0x3FB4] =	sst s7  }
0x10: {  	[smem:$0x3FB5] =	sst s8  }
0x11: {  	[smem:$0x3FB6] =	sst s9;
	s0 =	simm.s32 @!p0 $0x0  }
0x12: {  	s1 =	sld [smem:$0x3F9C];
	s0 =	simm.s32 @p0 $0x1  }
0x13: {  	[smem:$0x3FB7] =	sst s0;
	s0 =	simm.s32 @!p1 $0x0  }
0x14: {  	s2 =	sld [smem:$0x3F9B];
	s0 =	simm.s32 @p1 $0x1  }
0x15: {  	[smem:$0x3FB8] =	sst s0;
	s0 =	simm.s32 @!p2 $0x0  }
0x16: {  	s3 =	sld [smem:$0x3FDB];
	s0 =	simm.s32 @p2 $0x1  }
0x17: {  	s4 =	simm.s32 $0x1BF5;
	[smem:$0x3FBA] =	sst s0  }
0x18: {  	s0 =	sld [smem:$0x3F9D];
	_ =	swait.ge [sflag:s4], $0x0  }
0x19: {  	s7 =	sld [smem:$0x3F9E]  }
0x1a: {  	s8 =	sadd.s32 $0xFFFFE003, lr  }
0x1b: {  	s9 =	sadd.s32 $0xFFFFFEF7, lr;
	s5 =	simm.s32 $0xFFFFFFFF;
	p2 =	slt.u32 s8, $0xFFFFF086  }
0x1c: {  	p1 =	slt.u32 s9, $0xF7A;
	s5 =	simm.s32 @!p2 $0x0  }
0x1d: {  	s5 =	simm.s32 @p1 $0x1;
	p0 =	seq.s32 s7, s2  }
0x1e: {  	s7 =	smul.u32 @!p0 $0xF7A, s2;
	p2 =	seq.s32 @!p0 s5, $0x0  }
0x1f: {  	s9 =	smul.u32 $0xF7A, s1;
	s8 =	simm.s32 @!p0 $0x1BF5;
	p2 =	por !p2, p0  }
0x20: {  	[sflag:s8] =	ssyncset.s32 @!p0 $0xFFFFF086;
	s6 =	sadd.s32 @!p0 s3, s7;
	s7 =	simm.s32 @!p0 $0x108  }
0x21: {  	s3 =	sadd.s32 s3, s9;
	s6 =	sadd.s32 @!p0 $0x88, s6;
	s7 =	simm.s32 @p2 $0x1082  }
0x22: {  	[simem:s7], [sflag:s8] =	dma.local @!p0 [hbm:s6], $0xF7A  }
0x23: {  	s9 =	sor.u32 $0xD0000000, s2;
	s6 =	simm.s32 $0x108;
	_ =	swait.ge @!p0 [sflag:s8], $0x0  }
0x24: {  	s3 =	sadd.s32 $0x88, s3;
	s6 =	simm.s32 @!p1 $0x1082;
	[sflag:s4] =	ssyncset.s32 $0xFFFFF086  }
0x25: {  	[simem:s6], [sflag:s4] =	dma.local [hbm:s3], $0xF7A  }
0x26: {  	[smem:$0x3F9E] =	sst s1;
	(tag) =	ssettag s2;
	_ =	strace s9  }
0x27: {  	s1 =	sld [smem:$0x3FAE]  }
0x28: {  	s2 =	sld [smem:$0x3FAF]  }
0x29: {  	s4 =	sld [smem:$0x3FB1]  }
0x2a: {  	p0 =	seq.s32 s5, $0x0;
	s5 =	sld [smem:$0x3FB2]  }
0x2b: {  	s6 =	sld [smem:$0x3FB3]  }
0x2c: {  	s7 =	sld [smem:$0x3FB4]  }
0x2d: {  	s3 =	simm.s32 $0x108;
	s8 =	sld [smem:$0x3FB5]  }
0x2e: {  	s3 =	simm.s32 @!p0 $0x1082;
	s9 =	sld [smem:$0x3FB6]  }
0x2f: {  	lr =	sadd.s32 s0, s3;
	s0 =	sld [smem:$0x3FAD]  }
0x30: {  	s3 =	sld [smem:$0x3FB0]  }
0x31: {  	[smem:$0x3FB9] =	sst s10  }
0x32: {  	s10 =	sld [smem:$0x3FB7];
	_ =	sdelay $0x3  }
0x33: {  	p0 =	seq.s32 s10, $0x1;
	s10 =	sld [smem:$0x3FB9];
	_ =	sdelay $0x3  }
0x34: {  	[smem:$0x3FB9] =	sst s10  }
0x35: {  	s10 =	sld [smem:$0x3FB8];
	_ =	sdelay $0x3  }
0x36: {  	p1 =	seq.s32 s10, $0x1;
	s10 =	sld [smem:$0x3FB9];
	_ =	sdelay $0x3  }
0x37: {  	[smem:$0x3FB9] =	sst s10  }
0x38: {  	s10 =	sld [smem:$0x3FBA]  }
0x39: {  	_ = 	snop;
	(pc) =	sbr.ind lr, $3  }
0x3a: {  	_ = 	snop  }
0x3b: {  	_ = 	snop  }
0x3c: {  	p2 =	seq.s32 s10, $0x1;
	s10 =	sld [smem:$0x3FB9]  }
0x3d: {  	_ =	shalt  }
0x3e: {  	_ =	shalt  }
0x3f: {  	_ =	shalt  }
0x40: {  	_ =	shalt  }
0x41: {  	_ =	shalt  }
0x42: {  	_ =	shalt  }
0x43: {  	_ =	shalt  }
0x44: {  	_ =	shalt  }
0x45: {  	_ =	shalt  }
0x46: {  	_ =	shalt  }
0x47: {  	_ =	shalt  }
0x48: {  	_ =	shalt  }
0x49: {  	_ =	shalt  }
0x4a: {  	_ =	shalt  }
0x4b: {  	_ =	shalt  }
0x4c: {  	_ =	shalt  }
0x4d: {  	_ =	shalt  }
0x4e: {  	_ =	shalt  }
0x4f: {  	_ =	shalt  }
0x50: {  	_ =	shalt  }
0x51: {  	_ =	shalt  }
0x52: {  	_ =	shalt  }
0x53: {  	_ =	shalt  }
0x54: {  	_ =	shalt  }
0x55: {  	_ =	shalt  }
0x56: {  	_ =	shalt  }
0x57: {  	_ =	shalt  }
0x58: {  	_ =	shalt  }
0x59: {  	_ =	shalt  }
0x5a: {  	_ =	shalt  }
0x5b: {  	_ =	shalt  }
0x5c: {  	_ =	shalt  }
0x5d: {  	_ =	shalt  }
0x5e: {  	_ =	shalt  }
0x5f: {  	_ =	shalt  }
0x60: {  	_ =	shalt  }
0x61: {  	_ =	shalt  }
0x62: {  	_ =	shalt  }
0x63: {  	_ =	shalt  }
0x64: {  	_ =	shalt  }
0x65: {  	_ =	shalt  }
0x66: {  	_ =	shalt  }
0x67: {  	_ =	shalt  }
0x68: {  	_ =	shalt  }
0x69: {  	_ =	shalt  }
0x6a: {  	_ =	shalt  }
0x6b: {  	_ =	shalt  }
0x6c: {  	_ =	shalt  }
0x6d: {  	_ =	shalt  }
0x6e: {  	_ =	shalt  }
0x6f: {  	_ =	shalt  }
0x70: {  	_ =	shalt  }
0x71: {  	_ =	shalt  }
0x72: {  	_ =	shalt  }
0x73: {  	_ =	shalt  }
0x74: {  	_ =	shalt  }
0x75: {  	_ =	shalt  }
0x76: {  	_ =	shalt  }
0x77: {  	_ =	shalt  }
0x78: {  	_ =	shalt  }
0x79: {  	_ =	shalt  }
0x7a: {  	_ =	shalt  }
0x7b: {  	_ =	shalt  }
0x7c: {  	_ =	shalt  }
0x7d: {  	_ =	shalt  }
0x7e: {  	_ =	shalt  }
0x7f: {  	_ =	shalt  }
0x80: {  	_ =	shalt  }
0x81: {  	_ =	shalt  }
0x82: {  	_ =	shalt  }
0x83: {  	_ =	shalt  }
0x84: {  	_ =	shalt  }
0x85: {  	_ =	shalt  }
0x86: {  	_ =	shalt  }
0x87: {  	_ =	shalt  }
.Lfunc_end0:
.L_simem_size_0:
called_computation_lowered:
.L_overlay_start_0:
0x88: {  	s2 =	sld [smem:$0x3FD9]  }
0x89: {  	s3 =	sld [smem:$0x3FFE];
	_ =	sdelay $0x1  }
0x8a: {  	s1 =	srdreg.scid  }
0x8b: {  	s0 =	sand.u32 $0x1, s1  }
0x8c: {  	s14 =	sshll.u32 s0, $0xA;
	s2 =	sadd.s32 s3, s2  }
0x8d: {  	s2 =	sadd.s32 s2, s14  }
0x8e: {  	[smem:$0x3FC5] =	sst s2  }
0x8f: {  	_ = 	snop  }
0x90: {  	s2 =	sld [smem:$0x3FD0];
	_ =	sdelay $0x1  }
0x91: {  	s15 =	sld [smem:$0x3FC9]  }
0x92: {  	s5 =	simm.s32 $0xA;
	s6 =	simm.s32 $0x10;
	s4 =	sld [smem:$0x3FC7]  }
0x93: {  	[smem:s6], [sflag:s5] =	dma.local [hbm:s2], $0x1  }
0x94: {  	_ =	swait.eq [sflag:s5], $0x1  }
0x95: {  	[sflag:s5] =	ssyncset.done $0x0  }
0x96: {  	s16 =	sld [smem:$0x10];
	[sflag:s5] =	ssyncadd.s32 $0xFFFFFFFF  }
0x97: {  	s17 =	sld [smem:$0x11];
	(tm) =	ssettm $0x1  }
0x98: {  	s18 =	sld [smem:$0x3FFB];
	_ =	sdelay $0x3  }
0x99: {  	_ =	strace s18  }
0x9a: {  	s6 =	sld [smem:$0x3FFC];
	_ =	sdelay $0x3  }
0x9b: {  	_ =	strace s6  }
0x9c: {  	s6 =	sld [smem:$0x3FFD];
	_ =	sdelay $0x3  }
0x9d: {  	_ =	strace s6  }
0x9e: {  	_ =	strace $0x8FFFFFFF  }
0x9f: {  	s19 =	sld [smem:$0x3FDB];
	_ =	sdelay $0x1  }
0xa0: {  	s7 =	simm.s32 $_scs_section_size  }
0xa1: {  	s8 =	simm.s32 $_size__tile_overlayer_lowered;
	s9 =	simm.s32 $_tile_overlayer_lowered  }
0xa2: {  	s22 =	simm.s32 $0x1BFF;
	s21 =	sshll.u32 s9, $0x1;
	s6 =	sadd.s32 s7, s19  }
0xa3: {  	s10 =	simm.s32 $0x0;
	s20 =	sshll.u32 s8, $0x1;
	s8 =	sadd.s32 s21, s6  }
0xa4: {  	[timem:s10], [sflag:s22] =	dma.local [hbm:s8], s20  }
0xa5: {  	_ =	swait.ge [sflag:s22], s20  }
0xa6: {  	s7 =	ssub.s32 $0x0, s20;
	[sflag:s22] =	ssyncset.done $0x0  }
0xa7: {  	[sflag:s22] =	ssyncadd.s32 s7;
	_ =	sdelay $0x1  }
0xa8: {  	s23 =	simm.s32 $0x1B8B  }
0xa9: {  	_ =	swait.ge [sflag:s23], $0x1  }
0xaa: {  	[sflag:s23] =	ssyncset.done $0x0  }
0xab: {  	s25 =	simm.s32 $0x1B8E;
	s24 =	sld [smem:$0x3FFE];
	[sflag:s23] =	ssyncadd.s32 $0xFFFFFFFF  }
0xac: {  	s26 =	simm.s32 $execute0_lowered;
	[smem:$0x3FD2] =	sst s25  }
0xad: {  	s8 =	sshll.u32 s26, $0x1;
	_ =	strace $0x80000046;
	[dreg:$0x1] =	wrdreg $0xFFFFFFFF  }
0xae: {  	s28 =	simm.s32 $_size_execute0_lowered;
	s6 =	sadd.s32 s6, s8;
	[dreg:$0x0] =	wrdreg $0x0  }
0xaf: {  	s8 =	sshll.u32 s28, $0x1;
	[dreg:$0x2] =	wrdreg s6  }
0xb0: {  	[dreg:$0x3] =	wrdreg s8  }
0xb1: {  	[dreg:$0x4] =	wrdreg $0xC0  }
0xb2: {  	_ =	task [dreg:s10], $0x5FFFF  }
0xb3: {  	[dreg:$0x1] =	wrdreg $0xFFFFFFFF  }
0xb4: {  	[dreg:$0x0] =	wrdreg $0x60  }
0xb5: {  	[dreg:$0x2] =	wrdreg s15  }
0xb6: {  	[dreg:$0x3] =	wrdreg s24  }
0xb7: {  	[dreg:$0x4] =	wrdreg s4  }
0xb8: {  	[dreg:$0x5] =	wrdreg s16  }
0xb9: {  	[dreg:$0x6] =	wrdreg s17  }
0xba: {  	[dreg:$0x7] =	wrdreg $0x9  }
0xbb: {  	_ =	task.clear_ibuf [dreg:s10], $0x8FFFF;
	_ =	strace $0x90000046  }
0xbc: {  	s29 =	simm.s32 $0x9;
	_ =	strace $0x80000048  }
0xbd: {  	_ =	swait.ge [sflag:s29], $0x1  }
0xbe: {  	[sflag:s29] =	ssyncadd.s32 $0xFFFFFFFF  }
0xbf: {  	_ =	strace $0x90000048  }
0xc0: {  	_ =	sfence  }
0xc1: {  	s30 =	sld [smem:$0x0];
	_ =	sdelay $0x2  }
0xc2: {  	s31 =	sshll.u32 s1, $0xD;
	s1 =	sshrl.u32 s1, $0x2  }
0xc3: {  	s3 =	sand.u32 $0x4000, s31;
	s1 =	sadd.s32 s1, s30  }
0xc4: {  	s0 =	sor.u32 s3, s0;
	s1 =	sshll.u32 s1, $0x11  }
0xc5: {  	s0 =	sor.u32 s1, s0  }
0xc6: {  	s0 =	sadd.s32 $0x8F2B, s0  }
0xc7: {  	[sflag:s0] =	ssyncadd.remote.s32 $0x1  }
0xc8: {  	_ =	sfence.sel $0xFFFF  }
0xc9: {  	[dreg:$0x0] =	wrdreg $0xFFFFFFFF;
	(pc) =	sbr.abs _section_cstart, $3  }
0xca: {  	[dreg:$0x1] =	wrdreg $0xFFFFFFFF  }
0xcb: {  	_ =	task.clear_ibuf [dreg:s10], $0x2FFFF;
	_ =	strace $0x9FFFFFFF  }
0xcc: {  	(tm) =	ssettm $0x7FFFFFFF  }
0xcd: {  	_ =	shalt  }
tec
execute0_lowered:
.L_overlay_start_1:
0x0: {  	(tag) =	ssettag $0x1  }
0x1: {  	s13 =	rddreg [dreg:$0x0]  }
0x2: {  	s1 =	srdreg.scid;
	s0 =	stileid.u32  }
0x3: {  	s6 =	rddreg [dreg:$0x1];
	s14 =	sand.u32 $0x1, s1;
	s28 =	sshll.u32 s0, $0x1  }
0x4: {  	s2 =	rddreg [dreg:$0x2];
	s11 =	sor.u32 s14, s28  }
0x5: {  	s15 =	rddreg [dreg:$0x3];
	s17 =	smul.u32 $0xD00, s11  }
0x6: {  	s16 =	rddreg [dreg:$0x4];
	s3 =	simm.s32 $0x0  }
0x7: {  	s4 =	simm.s32 $0x3;
	[smem:$0x7FF] =	sst s3;
	s12 =	sshrl.u32 s17, $0x3  }
0x8: {  	s1 =	rddreg [dreg:$0x5];
	_ =	strace $0x80000047;
	s5 =	sadd.s32 s13, s12  }
0x9: {  	[tilespmem:s3], [sflag:$0x3] =	stream.linear.gather [hbm4b:s5+s3], $0x680, $0x38;
	[tilespmem:$0x7500] =	vst v63  }
0xa: {  	_ =	swait.ge [sflag:s4], $0x680  }
0xb: {  	[sflag:s4] =	ssyncset.done $0x0  }
0xc: {  	s7 =	simm.s32 $0x680;
	s6 =	sadd.s32 $0xF42C00, s6;
	[sflag:s4] =	ssyncadd.s32 $0xFFFFF980  }
0xd: {  	[tilespmem:s7], [sflag:$0x1] =	stream.indirect.gather [hbm4b:s6+s7], $0x10, s3, s7, $0xb8;
	[tilespmem:$0x7500] =	vst v63  }
0xe: {  	s8 =	simm.s32 $0x6E80;
	s9 =	simm.s32 $0x1  }
0xf: {  	[tilespmem:s8], [sflag:$0x2] =	stream.indirect.gather [hbm4b:s2+s7], $0x1, s3, s7, $0xb8;
	[tilespmem:$0x7500] =	vst v63  }
0x10: {  	_ =	swait.ge [sflag:s9], $0x6800  }
0x11: {  	[sflag:s9] =	ssyncset.done $0x0  }
0x12: {  	s10 =	simm.s32 $0x2;
	[sflag:s9] =	ssyncadd.s32 $0xFFFF9800  }
0x13: {  	s11 =	smul.u32 $0x1A00, s11;
	_ =	swait.ge [sflag:s10], $0x680  }
0x14: {  	[sflag:s10] =	ssyncset.done $0x0  }
0x15: {  	s11 =	sadd.s32 s15, s11;
	[sflag:s10] =	ssyncadd.s32 $0xFFFFF980  }
0x16: {  	[hbm4b:s11+s3] =	stream.linear.scatter [tilespmem:s7], [sflag:$0x3], $0x6800, $0x38;
	[tilespmem:$0x7500] =	vst v63  }
0x17: {  	_ =	swait.ge [sflag:s4], $0x6800  }
0x18: {  	[sflag:s4] =	ssyncset.done $0x0  }
0x19: {  	s12 =	sadd.s32 s16, s12;
	[sflag:s4] =	ssyncadd.s32 $0xFFFF9800  }
0x1a: {  	[hbm4b:s12+s3] =	stream.linear.scatter [tilespmem:s8], [sflag:$0x3], $0x680, $0x38;
	[tilespmem:$0x7500] =	vst v63  }
0x1b: {  	s17 =	sadd.s32 $0x680, s17;
	_ =	swait.ge [sflag:s4], $0x680  }
0x1c: {  	s18 =	sshrl.u32 s17, $0x3;
	[sflag:s4] =	ssyncset.done $0x0  }
0x1d: {  	s13 =	sadd.s32 s13, s18;
	[sflag:s4] =	ssyncadd.s32 $0xFFFFF980  }
0x1e: {  	[tilespmem:s3], [sflag:$0x3] =	stream.linear.gather [hbm4b:s13+s3], $0x680, $0x38;
	[tilespmem:$0x7500] =	vst v63  }
0x1f: {  	_ =	swait.ge [sflag:s4], $0x680  }
0x20: {  	[sflag:s4] =	ssyncset.done $0x0  }
0x21: {  	[sflag:s4] =	ssyncadd.s32 $0xFFFFF980  }
0x22: {  	[tilespmem:s7], [sflag:$0x1] =	stream.indirect.gather [hbm4b:s6+s7], $0x10, s3, s7, $0xb8;
	[tilespmem:$0x7500] =	vst v63  }
0x23: {  	_ = 	snop  }
0x24: {  	[tilespmem:s8], [sflag:$0x2] =	stream.indirect.gather [hbm4b:s2+s7], $0x1, s3, s7, $0xb8;
	[tilespmem:$0x7500] =	vst v63  }
0x25: {  	_ =	swait.ge [sflag:s9], $0x6800  }
0x26: {  	[sflag:s9] =	ssyncset.done $0x0  }
0x27: {  	s19 =	ssub.s32 $0x2, s14;
	[sflag:s9] =	ssyncadd.s32 $0xFFFF9800  }
0x28: {  	s29 =	sshrl.u32 s19, $0x1;
	_ =	swait.ge [sflag:s10], $0x680  }
0x29: {  	s30 =	ssub.s32 s19, s29;
	s17 =	sshll.u32 s17, $0x1;
	[sflag:s10] =	ssyncset.done $0x0  }
0x2a: {  	s31 =	smax.u32 s30, $0x1;
	s14 =	sadd.s32 s15, s17;
	[sflag:s10] =	ssyncadd.s32 $0xFFFFF980  }
0x2b: {  	[hbm4b:s14+s3] =	stream.linear.scatter [tilespmem:s7], [sflag:$0x3], $0x6800, $0x38;
	[tilespmem:$0x7500] =	vst v63  }
0x2c: {  	p0 =	sne.s32 s31, $0x1;
	_ =	swait.ge [sflag:s4], $0x6800  }
.Ltmp0:
0x2d: {  	[sflag:s4] =	ssyncset.done $0x0;
	(pc) =	sbr.rel @!p0 .LBB2_2-.Ltmp0, $4  }
0x2e: {  	s15 =	sadd.s32 s16, s18;
	[sflag:s4] =	ssyncadd.s32 $0xFFFF9800  }
0x2f: {  	[hbm4b:s15+s3] =	stream.linear.scatter [tilespmem:s8], [sflag:$0x3], $0x680, $0x38;
	[tilespmem:$0x7500] =	vst v63  }
0x30: {  	_ =	swait.ge [sflag:s4], $0x680  }
0x31: {  	s16 =	sadd.s32 $0xFFFFFFFF, s31;
	[sflag:s4] =	ssyncset.done $0x0  }
.LBB2_1:
0x32: {  	p0 =	sne.s32 s16, $0x1;
	s16 =	sadd.s32 $0xFFFFFFFF, s16;
	[sflag:s4] =	ssyncadd.s32 $0xFFFFF980  }
0x33: {  	[tilespmem:s3], [sflag:$0x3] =	stream.linear.gather [hbm4b:s5+s3], $0x680, $0x38;
	[tilespmem:$0x7500] =	vst v63  }
0x34: {  	_ =	swait.ge [sflag:s4], $0x680  }
0x35: {  	[sflag:s4] =	ssyncset.done $0x0  }
0x36: {  	[sflag:s4] =	ssyncadd.s32 $0xFFFFF980  }
0x37: {  	[tilespmem:s7], [sflag:$0x1] =	stream.indirect.gather [hbm4b:s6+s7], $0x10, s3, s7, $0xb8;
	[tilespmem:$0x7500] =	vst v63  }
0x38: {  	_ = 	snop  }
0x39: {  	[tilespmem:s8], [sflag:$0x2] =	stream.indirect.gather [hbm4b:s2+s7], $0x1, s3, s7, $0xb8;
	[tilespmem:$0x7500] =	vst v63  }
0x3a: {  	_ =	swait.ge [sflag:s9], $0x6800  }
0x3b: {  	[sflag:s9] =	ssyncset.done $0x0  }
0x3c: {  	[sflag:s9] =	ssyncadd.s32 $0xFFFF9800  }
0x3d: {  	_ =	swait.ge [sflag:s10], $0x680  }
0x3e: {  	[sflag:s10] =	ssyncset.done $0x0  }
0x3f: {  	[sflag:s10] =	ssyncadd.s32 $0xFFFFF980  }
0x40: {  	[hbm4b:s11+s3] =	stream.linear.scatter [tilespmem:s7], [sflag:$0x3], $0x6800, $0x38;
	[tilespmem:$0x7500] =	vst v63  }
0x41: {  	_ =	swait.ge [sflag:s4], $0x6800  }
0x42: {  	[sflag:s4] =	ssyncset.done $0x0  }
0x43: {  	[sflag:s4] =	ssyncadd.s32 $0xFFFF9800  }
0x44: {  	[hbm4b:s12+s3] =	stream.linear.scatter [tilespmem:s8], [sflag:$0x3], $0x680, $0x38;
	[tilespmem:$0x7500] =	vst v63  }
0x45: {  	_ =	swait.ge [sflag:s4], $0x680  }
0x46: {  	[sflag:s4] =	ssyncset.done $0x0  }
0x47: {  	[sflag:s4] =	ssyncadd.s32 $0xFFFFF980  }
0x48: {  	[tilespmem:s3], [sflag:$0x3] =	stream.linear.gather [hbm4b:s13+s3], $0x680, $0x38;
	[tilespmem:$0x7500] =	vst v63  }
0x49: {  	_ =	swait.ge [sflag:s4], $0x680  }
0x4a: {  	[sflag:s4] =	ssyncset.done $0x0  }
0x4b: {  	[sflag:s4] =	ssyncadd.s32 $0xFFFFF980  }
0x4c: {  	[tilespmem:s7], [sflag:$0x1] =	stream.indirect.gather [hbm4b:s6+s7], $0x10, s3, s7, $0xb8;
	[tilespmem:$0x7500] =	vst v63  }
0x4d: {  	_ = 	snop  }
0x4e: {  	[tilespmem:s8], [sflag:$0x2] =	stream.indirect.gather [hbm4b:s2+s7], $0x1, s3, s7, $0xb8;
	[tilespmem:$0x7500] =	vst v63  }
0x4f: {  	_ =	swait.ge [sflag:s9], $0x6800  }
0x50: {  	[sflag:s9] =	ssyncset.done $0x0  }
0x51: {  	[sflag:s9] =	ssyncadd.s32 $0xFFFF9800  }
0x52: {  	_ =	swait.ge [sflag:s10], $0x680  }
0x53: {  	[sflag:s10] =	ssyncset.done $0x0  }
0x54: {  	[sflag:s10] =	ssyncadd.s32 $0xFFFFF980  }
0x55: {  	[hbm4b:s14+s3] =	stream.linear.scatter [tilespmem:s7], [sflag:$0x3], $0x6800, $0x38;
	[tilespmem:$0x7500] =	vst v63  }
0x56: {  	_ =	swait.ge [sflag:s4], $0x6800  }
.Ltmp1:
0x57: {  	[sflag:s4] =	ssyncset.done $0x0;
	(pc) =	sbr.rel @p0 .LBB2_1-.Ltmp1, $4  }
0x58: {  	[sflag:s4] =	ssyncadd.s32 $0xFFFF9800  }
0x59: {  	[hbm4b:s15+s3] =	stream.linear.scatter [tilespmem:s8], [sflag:$0x3], $0x680, $0x38;
	[tilespmem:$0x7500] =	vst v63  }
0x5a: {  	_ =	swait.ge [sflag:s4], $0x680  }
0x5b: {  	[sflag:s4] =	ssyncset.done $0x0  }
.LBB2_2:
0x5c: {  	[sflag:s4] =	ssyncadd.s32 $0xFFFFF980  }
0x5d: {  	_ =	sfence.sel $0x180000  }
0x5e: {  	[bflag:$0x0] =	sbarrier.arrive $0xFFFF  }
0x5f: {  	p0 =	sne.s32 s0, $0x0;
	_ =	strace $0x90000047  }
0x60: {  	s0 =	sadd.s32 @!p0 $0x100000, s1;
	[bflag:$0x2] =	sbarrier.arrive $0xFFFF  }
0x61: {  	[sflag:s0] =	ssyncadd.tile.s32 @!p0 $0x1;
	_ =	shalt  }
.Lfunc_end2:
_tile_overlayer_lowered:
.L_overlay_start_2:
0x62: {  	(tag) =	ssettag $0x2  }
0x63: {  	s0 =	rddreg [dreg:$0x0];
	s2 =	stileid.u32  }
0x64: {  	s1 =	rddreg [dreg:$0x1];
	p0 =	sne.s32 s2, $0x0  }
0x65: {  	s3 =	rddreg [dreg:$0x2];
	[bflag:$0x3] =	sbarrier.arrive $0xFFFF;
	s2 =	simm.s32 @!p0 $0x1C03  }
0x66: {  	[timem:s3], [sflag:s2] =	dma.local @!p0 [hbm:s0], s1  }
0x67: {  	s0 =	simm.s32 @!p0 $0x3  }
0x68: {  	_ =	swait.ge @!p0 [sflag:s0], s1  }
0x69: {  	s1 =	ssub.s32 @!p0 $0x0, s1;
	[sflag:s0] =	ssyncset.done @!p0 $0x0  }
0x6a: {  	[sflag:s0] =	ssyncadd.s32 @!p0 s1  }
0x6b: {  	[bflag:$0x3] =	sbarrier.arrive $0xFFFF  }
0x6c: {  	_ =	shalt  }

</sc_bundles>
